<compile_context>
chip_gen: v7x
topology: tpu7x:2x2x1
jax: 0.10.2.dev20260603
libtpu: 0.0.44.dev20260713+nightly
codegen_flags: <defaults>
</compile_context>

<pallas_src>
import functools

import jax
import jax.numpy as jnp
from jax import lax
from jax.experimental import pallas as pl
from jax.experimental.pallas import tpu as pltpu
from jax.experimental.pallas import tpu_sc as plsc

_NB_SEGS = 1024
_BINS = 25
_C = 3
_H = 512
_W = 512
_N = _H * _W
_NC = 2
_NS = 16
_NW = _NC * _NS
_P = _N // _NW
_ROW = _C * _BINS
_HIST = _NB_SEGS * _ROW
_L = 16


def _sc_partial_hists(img_flat, reg_flat):
    mesh = plsc.VectorSubcoreMesh(core_axis_name="c", subcore_axis_name="s")

    @functools.partial(
        pl.kernel,
        out_type=jax.ShapeDtypeStruct((_NW, _HIST), jnp.float32),
        mesh=mesh,
        scratch_types=[
            pltpu.VMEM((_HIST,), jnp.float32),
            pltpu.VMEM((_P,), jnp.int32),
            pltpu.VMEM((_C * _P,), jnp.float32),
            pltpu.SemaphoreType.DMA,
        ],
        compiler_params=pltpu.CompilerParams(needs_layout_passes=False),
    )
    def sc_hist(img_hbm, reg_hbm, out_hbm, hist_v, reg_v, img_v, sem):
        wid = lax.axis_index("s") * _NC + lax.axis_index("c")
        base = wid * _P

        reg_cp = pltpu.async_copy(reg_hbm.at[pl.ds(base, _P)], reg_v, sem)
        img_cps = [
            pltpu.async_copy(
                img_hbm.at[pl.ds(c * _N + base, _P)],
                img_v.at[pl.ds(c * _P, _P)],
                sem,
            )
            for c in range(_C)
        ]

        @pl.loop(0, _HIST, step=_L)
        def _(i):
            hist_v[pl.ds(i, _L)] = jnp.zeros((_L,), jnp.float32)

        reg_cp.wait()
        for cp in img_cps:
            cp.wait()

        ones = jnp.ones((_L,), jnp.float32)
        for c in range(_C):
            coff = c * _BINS

            @pl.loop(0, _P, step=_L)
            def _(i, c=c, coff=coff):
                r = reg_v[pl.ds(i, _L)]
                x = img_v[pl.ds(c * _P + i, _L)]
                b = (x * float(_BINS - 1)).astype(jnp.int32)
                b = jnp.minimum(jnp.maximum(b, 0), _BINS - 1)
                z = r * _ROW + (b + coff)
                plsc.addupdate_scatter(hist_v, [z], ones)

        pltpu.sync_copy(hist_v, out_hbm.at[wid])

    return sc_hist(img_flat, reg_flat)


def _tc_merge(partials):

    def body(p_ref, hist_ref, rs_ref):
        s = jnp.sum(p_ref[...], axis=0)
        tot = jnp.sum(s, axis=1, keepdims=True)
        hist_ref[...] = s / tot
        rs_ref[...] = tot / 3.0

    return pl.pallas_call(
        body,
        out_shape=(
            jax.ShapeDtypeStruct((_NB_SEGS, _ROW), jnp.float32),
            jax.ShapeDtypeStruct((_NB_SEGS, 1), jnp.float32),
        ),
    )(partials)


def kernel(img, reg_lab):
    img_flat = img.reshape(_C * _N)
    reg_flat = reg_lab.reshape(_N)
    partials = _sc_partial_hists(img_flat, reg_flat)
    hist2d, rs = _tc_merge(partials.reshape(_NW, _NB_SEGS, _ROW))
    return hist2d.reshape(_NB_SEGS, _C, _BINS), rs.reshape(_NB_SEGS)

# --- scband reference (transcript-rebuilt; emitter-appended) ---
"""Pipeline reference for scband-selective-search-65798898975436 (READ-ONLY COPY).

The authoritative reference and input builder live on the scoring server;
editing this copy changes nothing except your own understanding.
"""

import jax, jax.numpy as jnp
import numpy as np

NB_SEGS = 1024
BINS = 25
C, H, W = 3, 512, 512


def setup_inputs(seed: int = 0) -> dict:
    key = jax.random.key(seed)
    k1, k2 = jax.random.split(key)
    img = jax.random.uniform(k1, (C, H, W), dtype=jnp.float32)
    reg_lab = jax.random.randint(k2, (H, W), 0, NB_SEGS, dtype=jnp.int32)
    return {"img": img, "reg_lab": reg_lab}


def reference(img, reg_lab):
    # Faithful JAX translation of the histogram-binning core of
    # HandcraftedRegionFeatures.__init__ (region sizes + per-region color histograms):
    #   Z = reg_lab * bins + (img * (bins-1)).to(int64)
    #   color_histograms = zeros(C, nb_segs*bins).scatter_add_(-1, Z, ones)
    #   color_histograms = view(C, nb_segs, bins).movedim(-2, -3)
    #   color_histograms /= color_histograms.sum(dim=(-2,-1), keepdim=True)
    c = img.shape[0]
    bin_idx = jnp.clip((img * (BINS - 1)).astype(jnp.int32), 0, BINS - 1)
    Z = (reg_lab[None, :, :] * BINS + bin_idx).reshape(c, -1)
    ones = jnp.ones((Z.shape[1],), dtype=jnp.float32)
    hist = jax.vmap(lambda z: jnp.zeros((NB_SEGS * BINS,), dtype=jnp.float32).at[z].add(ones))(Z)
    hist = hist.reshape(c, NB_SEGS, BINS)
    hist = jnp.moveaxis(hist, 1, 0)  # (nb_segs, C, bins)
    hist = hist / hist.sum(axis=(-2, -1), keepdims=True)
    # region sizes: zeros(nb_segs).scatter_add_(0, reg_lab.flatten(), ones)
    region_sizes = jnp.zeros((NB_SEGS,), dtype=jnp.float32).at[reg_lab.reshape(-1)].add(1.0)
    return hist, region_sizes

if __name__ == "__main__":
    import jax
    _d = setup_inputs()
    print(jax.jit(kernel)(*tuple(_d.values())))

</pallas_src>

<mosaic_0001>
#map = affine_map<(d0, d1) -> (0)>
#map1 = affine_map<(d0, d1) -> (0, 0)>
module attributes {stable_mosaic.version = 14 : i64} {
  func.func @sc_hist(%arg0: i32, %arg1: i32, %arg2: memref<786432xf32, #tpu.memory_space<hbm>>, %arg3: memref<262144xi32, #tpu.memory_space<hbm>>, %arg4: memref<32x76800xf32, #tpu.memory_space<hbm>>, %arg5: memref<76800xf32, #tpu.memory_space<vmem>>, %arg6: memref<8192xi32, #tpu.memory_space<vmem>>, %arg7: memref<24576xf32, #tpu.memory_space<vmem>>, %arg8: memref<!tpu.dma_semaphore, #tpu.memory_space<semaphore_mem>>) attributes {dimension_semantics = [#tpu.dimension_semantics<core_parallel>, #tpu.dimension_semantics<subcore_parallel>], iteration_bounds = array<i64: 2, 16>, scalar_prefetch = 0 : i64, scratch_operands = 4 : i64, tpu.core_type = #tpu.core_type<sc_vector_subcore>, window_params = [{transform_indices = #map}, {transform_indices = #map}, {transform_indices = #map1}]} {
    %mul3A = arith.constant 2 : i32
    %mul3A_0 = arith.muli %arg1, %mul3A : i32
    %add3A = arith.addi %mul3A_0, %arg0 : i32
    %mul3A_1 = arith.constant 8192 : i32
    %mul3A_2 = arith.muli %add3A, %mul3A_1 : i32
    %dma_start3A = tpu.memref_slice %arg3[%mul3A_2] : memref<262144xi32, #tpu.memory_space<hbm>> -> memref<8192xi32, #tpu.memory_space<hbm>>
    %dma_start3A_3 = tpu.memref_slice %arg3[%mul3A_2] : memref<262144xi32, #tpu.memory_space<hbm>> -> memref<8192xi32, #tpu.memory_space<hbm>>
    tpu.enqueue_dma source(%dma_start3A_3 : memref<8192xi32, #tpu.memory_space<hbm>>) target(%arg6 : memref<8192xi32, #tpu.memory_space<vmem>>) target_semaphore(%arg8 : memref<!tpu.dma_semaphore, #tpu.memory_space<semaphore_mem>>)
    %add3A_4 = arith.constant 0 : i32
    %add3A_5 = arith.addi %add3A_4, %mul3A_2 : i32
    %dma_start3A_6 = arith.constant 0 : i32
    %dma_start3A_7 = tpu.memref_slice %arg7[%dma_start3A_6] : memref<24576xf32, #tpu.memory_space<vmem>> -> memref<8192xf32, #tpu.memory_space<vmem>>
    %dma_start3A_8 = tpu.memref_slice %arg2[%add3A_5] : memref<786432xf32, #tpu.memory_space<hbm>> -> memref<8192xf32, #tpu.memory_space<hbm>>
    %dma_start3A_9 = arith.constant 0 : i32
    %dma_start3A_10 = tpu.memref_slice %arg7[%dma_start3A_9] : memref<24576xf32, #tpu.memory_space<vmem>> -> memref<8192xf32, #tpu.memory_space<vmem>>
    %dma_start3A_11 = tpu.memref_slice %arg2[%add3A_5] : memref<786432xf32, #tpu.memory_space<hbm>> -> memref<8192xf32, #tpu.memory_space<hbm>>
    tpu.enqueue_dma source(%dma_start3A_11 : memref<8192xf32, #tpu.memory_space<hbm>>) target(%dma_start3A_10 : memref<8192xf32, #tpu.memory_space<vmem>>) target_semaphore(%arg8 : memref<!tpu.dma_semaphore, #tpu.memory_space<semaphore_mem>>)
    %add3A_12 = arith.constant 262144 : i32
    %add3A_13 = arith.addi %add3A_12, %mul3A_2 : i32
    %dma_start3A_14 = arith.constant 8192 : i32
    %dma_start3A_15 = tpu.memref_slice %arg7[%dma_start3A_14] : memref<24576xf32, #tpu.memory_space<vmem>> -> memref<8192xf32, #tpu.memory_space<vmem>>
    %dma_start3A_16 = tpu.memref_slice %arg2[%add3A_13] : memref<786432xf32, #tpu.memory_space<hbm>> -> memref<8192xf32, #tpu.memory_space<hbm>>
    %dma_start3A_17 = arith.constant 8192 : i32
    %dma_start3A_18 = tpu.memref_slice %arg7[%dma_start3A_17] : memref<24576xf32, #tpu.memory_space<vmem>> -> memref<8192xf32, #tpu.memory_space<vmem>>
    %dma_start3A_19 = tpu.memref_slice %arg2[%add3A_13] : memref<786432xf32, #tpu.memory_space<hbm>> -> memref<8192xf32, #tpu.memory_space<hbm>>
    tpu.enqueue_dma source(%dma_start3A_19 : memref<8192xf32, #tpu.memory_space<hbm>>) target(%dma_start3A_18 : memref<8192xf32, #tpu.memory_space<vmem>>) target_semaphore(%arg8 : memref<!tpu.dma_semaphore, #tpu.memory_space<semaphore_mem>>)
    %add3A_20 = arith.constant 524288 : i32
    %add3A_21 = arith.addi %add3A_20, %mul3A_2 : i32
    %dma_start3A_22 = arith.constant 16384 : i32
    %dma_start3A_23 = tpu.memref_slice %arg7[%dma_start3A_22] : memref<24576xf32, #tpu.memory_space<vmem>> -> memref<8192xf32, #tpu.memory_space<vmem>>
    %dma_start3A_24 = tpu.memref_slice %arg2[%add3A_21] : memref<786432xf32, #tpu.memory_space<hbm>> -> memref<8192xf32, #tpu.memory_space<hbm>>
    %dma_start3A_25 = arith.constant 16384 : i32
    %dma_start3A_26 = tpu.memref_slice %arg7[%dma_start3A_25] : memref<24576xf32, #tpu.memory_space<vmem>> -> memref<8192xf32, #tpu.memory_space<vmem>>
    %dma_start3A_27 = tpu.memref_slice %arg2[%add3A_21] : memref<786432xf32, #tpu.memory_space<hbm>> -> memref<8192xf32, #tpu.memory_space<hbm>>
    tpu.enqueue_dma source(%dma_start3A_27 : memref<8192xf32, #tpu.memory_space<hbm>>) target(%dma_start3A_26 : memref<8192xf32, #tpu.memory_space<vmem>>) target_semaphore(%arg8 : memref<!tpu.dma_semaphore, #tpu.memory_space<semaphore_mem>>)
    %scan3A = arith.constant 0 : i32
    %scan3A_28 = arith.constant 4800 : i32
    %scan3A_29 = arith.addi %scan3A, %scan3A_28 : i32
    %scan3A_30 = arith.constant 1 : i32
    scf.for %scan3A_67 = %scan3A to %scan3A_29 step %scan3A_30  : i32 {
      %mul3A_68 = arith.constant 16 : i32
      %mul3A_69 = arith.muli %scan3A_67, %mul3A_68 : i32
      %add3A_70 = arith.constant 0 : i32
      %add3A_71 = arith.addi %add3A_70, %mul3A_69 : i32
      %broadcast_in_dim3A_72 = arith.constant 0.000000e+00 : f32
      %broadcast_in_dim3A_73 = vector.broadcast %broadcast_in_dim3A_72 : f32 to vector<16xf32>
      %swap3A = arith.index_cast %add3A_71 : i32 to index
      %swap3A_74 = tpu.vector_load %arg5[%swap3A] {strides = array<i32>} : memref<76800xf32, #tpu.memory_space<vmem>>, vector<16xf32>,
      tpu.vector_store %arg5[%swap3A], %broadcast_in_dim3A_73 {strides = array<i32>} : memref<76800xf32, #tpu.memory_space<vmem>>, vector<16xf32>,
    }
    %scan3A_31 = arith.constant 4800 : i32
    %dma_wait3A = tpu.memref_slice %arg3[%mul3A_2] : memref<262144xi32, #tpu.memory_space<hbm>> -> memref<8192xi32, #tpu.memory_space<hbm>>
    %dma_wait3A_32 = tpu.memref_slice %arg3[%mul3A_2] : memref<262144xi32, #tpu.memory_space<hbm>> -> memref<8192xi32, #tpu.memory_space<hbm>>
    tpu.wait_dma2 semaphore(%arg8 : memref<!tpu.dma_semaphore, #tpu.memory_space<semaphore_mem>>) src(%dma_wait3A_32 : memref<8192xi32, #tpu.memory_space<hbm>>) dst(%arg6 : memref<8192xi32, #tpu.memory_space<vmem>>)
    %dma_wait3A_33 = arith.constant 0 : i32
    %dma_wait3A_34 = tpu.memref_slice %arg7[%dma_wait3A_33] : memref<24576xf32, #tpu.memory_space<vmem>> -> memref<8192xf32, #tpu.memory_space<vmem>>
    %dma_wait3A_35 = tpu.memref_slice %arg2[%add3A_5] : memref<786432xf32, #tpu.memory_space<hbm>> -> memref<8192xf32, #tpu.memory_space<hbm>>
    %dma_wait3A_36 = arith.constant 0 : i32
    %dma_wait3A_37 = tpu.memref_slice %arg7[%dma_wait3A_36] : memref<24576xf32, #tpu.memory_space<vmem>> -> memref<8192xf32, #tpu.memory_space<vmem>>
    %dma_wait3A_38 = tpu.memref_slice %arg2[%add3A_5] : memref<786432xf32, #tpu.memory_space<hbm>> -> memref<8192xf32, #tpu.memory_space<hbm>>
    tpu.wait_dma2 semaphore(%arg8 : memref<!tpu.dma_semaphore, #tpu.memory_space<semaphore_mem>>) src(%dma_wait3A_38 : memref<8192xf32, #tpu.memory_space<hbm>>) dst(%dma_wait3A_37 : memref<8192xf32, #tpu.memory_space<vmem>>)
    %dma_wait3A_39 = arith.constant 8192 : i32
    %dma_wait3A_40 = tpu.memref_slice %arg7[%dma_wait3A_39] : memref<24576xf32, #tpu.memory_space<vmem>> -> memref<8192xf32, #tpu.memory_space<vmem>>
    %dma_wait3A_41 = tpu.memref_slice %arg2[%add3A_13] : memref<786432xf32, #tpu.memory_space<hbm>> -> memref<8192xf32, #tpu.memory_space<hbm>>
    %dma_wait3A_42 = arith.constant 8192 : i32
    %dma_wait3A_43 = tpu.memref_slice %arg7[%dma_wait3A_42] : memref<24576xf32, #tpu.memory_space<vmem>> -> memref<8192xf32, #tpu.memory_space<vmem>>
    %dma_wait3A_44 = tpu.memref_slice %arg2[%add3A_13] : memref<786432xf32, #tpu.memory_space<hbm>> -> memref<8192xf32, #tpu.memory_space<hbm>>
    tpu.wait_dma2 semaphore(%arg8 : memref<!tpu.dma_semaphore, #tpu.memory_space<semaphore_mem>>) src(%dma_wait3A_44 : memref<8192xf32, #tpu.memory_space<hbm>>) dst(%dma_wait3A_43 : memref<8192xf32, #tpu.memory_space<vmem>>)
    %dma_wait3A_45 = arith.constant 16384 : i32
    %dma_wait3A_46 = tpu.memref_slice %arg7[%dma_wait3A_45] : memref<24576xf32, #tpu.memory_space<vmem>> -> memref<8192xf32, #tpu.memory_space<vmem>>
    %dma_wait3A_47 = tpu.memref_slice %arg2[%add3A_21] : memref<786432xf32, #tpu.memory_space<hbm>> -> memref<8192xf32, #tpu.memory_space<hbm>>
    %dma_wait3A_48 = arith.constant 16384 : i32
    %dma_wait3A_49 = tpu.memref_slice %arg7[%dma_wait3A_48] : memref<24576xf32, #tpu.memory_space<vmem>> -> memref<8192xf32, #tpu.memory_space<vmem>>
    %dma_wait3A_50 = tpu.memref_slice %arg2[%add3A_21] : memref<786432xf32, #tpu.memory_space<hbm>> -> memref<8192xf32, #tpu.memory_space<hbm>>
    tpu.wait_dma2 semaphore(%arg8 : memref<!tpu.dma_semaphore, #tpu.memory_space<semaphore_mem>>) src(%dma_wait3A_50 : memref<8192xf32, #tpu.memory_space<hbm>>) dst(%dma_wait3A_49 : memref<8192xf32, #tpu.memory_space<vmem>>)
    %broadcast_in_dim3A = arith.constant 1.000000e+00 : f32
    %broadcast_in_dim3A_51 = vector.broadcast %broadcast_in_dim3A : f32 to vector<16xf32>
    %scan3A_52 = arith.constant 0 : i32
    %scan3A_53 = arith.constant 512 : i32
    %scan3A_54 = arith.addi %scan3A_52, %scan3A_53 : i32
    %scan3A_55 = arith.constant 1 : i32
    scf.for %scan3A_67 = %scan3A_52 to %scan3A_54 step %scan3A_55  : i32 {
      %mul3A_68 = arith.constant 16 : i32
      %mul3A_69 = arith.muli %scan3A_67, %mul3A_68 : i32
      %add3A_70 = arith.constant 0 : i32
      %add3A_71 = arith.addi %add3A_70, %mul3A_69 : i32
      %get3A = arith.index_cast %add3A_71 : i32 to index
      %get3A_72 = tpu.vector_load %arg6[%get3A] {strides = array<i32>} : memref<8192xi32, #tpu.memory_space<vmem>>, vector<16xi32>,
      %add3A_73 = arith.constant 0 : i32
      %add3A_74 = arith.addi %add3A_73, %add3A_71 : i32
      %get3A_75 = arith.index_cast %add3A_74 : i32 to index
      %get3A_76 = tpu.vector_load %arg7[%get3A_75] {strides = array<i32>} : memref<24576xf32, #tpu.memory_space<vmem>>, vector<16xf32>,
      %mul3A_77 = arith.constant 2.400000e+01 : f32
      %mul3A_78 = vector.broadcast %mul3A_77 : f32 to vector<16xf32>
      %mul3A_79 = arith.mulf %get3A_76, %mul3A_78 : vector<16xf32>
      %convert_element_type3A = arith.fptosi %mul3A_79 : vector<16xf32> to vector<16xi32>
      %max3A = arith.constant 0 : i32
      %max3A_80 = vector.broadcast %max3A : i32 to vector<16xi32>
      %max3A_81 = arith.maxsi %convert_element_type3A, %max3A_80 : vector<16xi32>
      %min3A = arith.constant 24 : i32
      %min3A_82 = vector.broadcast %min3A : i32 to vector<16xi32>
      %min3A_83 = arith.minsi %max3A_81, %min3A_82 : vector<16xi32>
      %mul3A_84 = arith.constant 75 : i32
      %mul3A_85 = vector.broadcast %mul3A_84 : i32 to vector<16xi32>
      %mul3A_86 = arith.muli %get3A_72, %mul3A_85 : vector<16xi32>
      %add3A_87 = arith.constant 0 : i32
      %add3A_88 = vector.broadcast %add3A_87 : i32 to vector<16xi32>
      %add3A_89 = arith.addi %min3A_83, %add3A_88 : vector<16xi32>
      %add3A_90 = arith.addi %mul3A_86, %add3A_89 : vector<16xi32>
      tpu.vector_store_idx %arg5[%add3A_90], %broadcast_in_dim3A_51 {add = true} : memref<76800xf32, #tpu.memory_space<vmem>>[vector<16xi32>], vector<16xf32>,
    }
    %scan3A_56 = arith.constant 512 : i32
    %scan3A_57 = arith.constant 0 : i32
    %scan3A_58 = arith.constant 512 : i32
    %scan3A_59 = arith.addi %scan3A_57, %scan3A_58 : i32
    %scan3A_60 = arith.constant 1 : i32
    scf.for %scan3A_67 = %scan3A_57 to %scan3A_59 step %scan3A_60  : i32 {
      %mul3A_68 = arith.constant 16 : i32
      %mul3A_69 = arith.muli %scan3A_67, %mul3A_68 : i32
      %add3A_70 = arith.constant 0 : i32
      %add3A_71 = arith.addi %add3A_70, %mul3A_69 : i32
      %get3A = arith.index_cast %add3A_71 : i32 to index
      %get3A_72 = tpu.vector_load %arg6[%get3A] {strides = array<i32>} : memref<8192xi32, #tpu.memory_space<vmem>>, vector<16xi32>,
      %add3A_73 = arith.constant 8192 : i32
      %add3A_74 = arith.addi %add3A_73, %add3A_71 : i32
      %get3A_75 = arith.index_cast %add3A_74 : i32 to index
      %get3A_76 = tpu.vector_load %arg7[%get3A_75] {strides = array<i32>} : memref<24576xf32, #tpu.memory_space<vmem>>, vector<16xf32>,
      %mul3A_77 = arith.constant 2.400000e+01 : f32
      %mul3A_78 = vector.broadcast %mul3A_77 : f32 to vector<16xf32>
      %mul3A_79 = arith.mulf %get3A_76, %mul3A_78 : vector<16xf32>
      %convert_element_type3A = arith.fptosi %mul3A_79 : vector<16xf32> to vector<16xi32>
      %max3A = arith.constant 0 : i32
      %max3A_80 = vector.broadcast %max3A : i32 to vector<16xi32>
      %max3A_81 = arith.maxsi %convert_element_type3A, %max3A_80 : vector<16xi32>
      %min3A = arith.constant 24 : i32
      %min3A_82 = vector.broadcast %min3A : i32 to vector<16xi32>
      %min3A_83 = arith.minsi %max3A_81, %min3A_82 : vector<16xi32>
      %mul3A_84 = arith.constant 75 : i32
      %mul3A_85 = vector.broadcast %mul3A_84 : i32 to vector<16xi32>
      %mul3A_86 = arith.muli %get3A_72, %mul3A_85 : vector<16xi32>
      %add3A_87 = arith.constant 25 : i32
      %add3A_88 = vector.broadcast %add3A_87 : i32 to vector<16xi32>
      %add3A_89 = arith.addi %min3A_83, %add3A_88 : vector<16xi32>
      %add3A_90 = arith.addi %mul3A_86, %add3A_89 : vector<16xi32>
      tpu.vector_store_idx %arg5[%add3A_90], %broadcast_in_dim3A_51 {add = true} : memref<76800xf32, #tpu.memory_space<vmem>>[vector<16xi32>], vector<16xf32>,
    }
    %scan3A_61 = arith.constant 512 : i32
    %scan3A_62 = arith.constant 0 : i32
    %scan3A_63 = arith.constant 512 : i32
    %scan3A_64 = arith.addi %scan3A_62, %scan3A_63 : i32
    %scan3A_65 = arith.constant 1 : i32
    scf.for %scan3A_67 = %scan3A_62 to %scan3A_64 step %scan3A_65  : i32 {
      %mul3A_68 = arith.constant 16 : i32
      %mul3A_69 = arith.muli %scan3A_67, %mul3A_68 : i32
      %add3A_70 = arith.constant 0 : i32
      %add3A_71 = arith.addi %add3A_70, %mul3A_69 : i32
      %get3A = arith.index_cast %add3A_71 : i32 to index
      %get3A_72 = tpu.vector_load %arg6[%get3A] {strides = array<i32>} : memref<8192xi32, #tpu.memory_space<vmem>>, vector<16xi32>,
      %add3A_73 = arith.constant 16384 : i32
      %add3A_74 = arith.addi %add3A_73, %add3A_71 : i32
      %get3A_75 = arith.index_cast %add3A_74 : i32 to index
      %get3A_76 = tpu.vector_load %arg7[%get3A_75] {strides = array<i32>} : memref<24576xf32, #tpu.memory_space<vmem>>, vector<16xf32>,
      %mul3A_77 = arith.constant 2.400000e+01 : f32
      %mul3A_78 = vector.broadcast %mul3A_77 : f32 to vector<16xf32>
      %mul3A_79 = arith.mulf %get3A_76, %mul3A_78 : vector<16xf32>
      %convert_element_type3A = arith.fptosi %mul3A_79 : vector<16xf32> to vector<16xi32>
      %max3A = arith.constant 0 : i32
      %max3A_80 = vector.broadcast %max3A : i32 to vector<16xi32>
      %max3A_81 = arith.maxsi %convert_element_type3A, %max3A_80 : vector<16xi32>
      %min3A = arith.constant 24 : i32
      %min3A_82 = vector.broadcast %min3A : i32 to vector<16xi32>
      %min3A_83 = arith.minsi %max3A_81, %min3A_82 : vector<16xi32>
      %mul3A_84 = arith.constant 75 : i32
      %mul3A_85 = vector.broadcast %mul3A_84 : i32 to vector<16xi32>
      %mul3A_86 = arith.muli %get3A_72, %mul3A_85 : vector<16xi32>
      %add3A_87 = arith.constant 50 : i32
      %add3A_88 = vector.broadcast %add3A_87 : i32 to vector<16xi32>
      %add3A_89 = arith.addi %min3A_83, %add3A_88 : vector<16xi32>
      %add3A_90 = arith.addi %mul3A_86, %add3A_89 : vector<16xi32>
      tpu.vector_store_idx %arg5[%add3A_90], %broadcast_in_dim3A_51 {add = true} : memref<76800xf32, #tpu.memory_space<vmem>>[vector<16xi32>], vector<16xf32>,
    }
    %scan3A_66 = arith.constant 512 : i32
    "tpu.region"() ({
      %run_scoped3A = tpu.sem_alloc : memref<!tpu.dma_semaphore, #tpu.memory_space<semaphore_mem>>
      %dma_start3A_67 = arith.constant 0 : i32
      %dma_start3A_68 = tpu.memref_slice %arg4[%add3A, %dma_start3A_67] : memref<32x76800xf32, #tpu.memory_space<hbm>> -> memref<1x76800xf32, #tpu.memory_space<hbm>>
      %dma_start3A_69 = tpu.memref_squeeze %dma_start3A_68 : memref<1x76800xf32, #tpu.memory_space<hbm>> -> memref<76800xf32, #tpu.memory_space<hbm>>
      %dma_start3A_70 = arith.constant 0 : i32
      %dma_start3A_71 = tpu.memref_slice %arg4[%add3A, %dma_start3A_70] : memref<32x76800xf32, #tpu.memory_space<hbm>> -> memref<1x76800xf32, #tpu.memory_space<hbm>>
      %dma_start3A_72 = tpu.memref_squeeze %dma_start3A_71 : memref<1x76800xf32, #tpu.memory_space<hbm>> -> memref<76800xf32, #tpu.memory_space<hbm>>
      tpu.enqueue_dma source(%arg5 : memref<76800xf32, #tpu.memory_space<vmem>>) target(%dma_start3A_72 : memref<76800xf32, #tpu.memory_space<hbm>>) target_semaphore(%run_scoped3A : memref<!tpu.dma_semaphore, #tpu.memory_space<semaphore_mem>>)
      %dma_wait3A_73 = arith.constant 0 : i32
      %dma_wait3A_74 = tpu.memref_slice %arg4[%add3A, %dma_wait3A_73] : memref<32x76800xf32, #tpu.memory_space<hbm>> -> memref<1x76800xf32, #tpu.memory_space<hbm>>
      %dma_wait3A_75 = tpu.memref_squeeze %dma_wait3A_74 : memref<1x76800xf32, #tpu.memory_space<hbm>> -> memref<76800xf32, #tpu.memory_space<hbm>>
      %dma_wait3A_76 = arith.constant 0 : i32
      %dma_wait3A_77 = tpu.memref_slice %arg4[%add3A, %dma_wait3A_76] : memref<32x76800xf32, #tpu.memory_space<hbm>> -> memref<1x76800xf32, #tpu.memory_space<hbm>>
      %dma_wait3A_78 = tpu.memref_squeeze %dma_wait3A_77 : memref<1x76800xf32, #tpu.memory_space<hbm>> -> memref<76800xf32, #tpu.memory_space<hbm>>
      tpu.wait_dma2 semaphore(%run_scoped3A : memref<!tpu.dma_semaphore, #tpu.memory_space<semaphore_mem>>) src(%arg5 : memref<76800xf32, #tpu.memory_space<vmem>>) dst(%dma_wait3A_78 : memref<76800xf32, #tpu.memory_space<hbm>>)
      tpu.yield
    }) : () -> ()
    return
  }
}

module attributes {stable_mosaic.version = 14 : i64} {
  func.func @body(%arg0: memref<32x1024x75xf32, #tpu.memory_space<vmem>>, %arg1: memref<1024x75xf32, #tpu.memory_space<vmem>>, %arg2: memref<1024x1xf32, #tpu.memory_space<vmem>>) attributes {dimension_semantics = [], scalar_prefetch = 0 : i64, scratch_operands = 0 : i64, tpu.core_type = #tpu.core_type<tc>} {
    %get3A = arith.constant 0 : index
    %get3A_0 = arith.constant 0 : index
    %get3A_1 = arith.constant 0 : index
    %get3A_2 = vector.load %arg0[%get3A, %get3A_0, %get3A_1] : memref<32x1024x75xf32, #tpu.memory_space<vmem>>, vector<32x1024x75xf32>
    %reduce_sum3A = arith.constant dense<0.000000e+00> : vector<1024x75xf32>
    %reduce_sum3A_3 = vector.multi_reduction <add>, %get3A_2, %reduce_sum3A [0] : vector<32x1024x75xf32> to vector<1024x75xf32>
    %reduce_sum3A_4 = arith.constant dense<0.000000e+00> : vector<1024xf32>
    %reduce_sum3A_5 = vector.multi_reduction <add>, %reduce_sum3A_3, %reduce_sum3A_4 [1] : vector<1024x75xf32> to vector<1024xf32>
    %broadcast_in_dim3A = vector.shape_cast %reduce_sum3A_5 : vector<1024xf32> to vector<1024x1xf32>
    %div3A = vector.broadcast %broadcast_in_dim3A : vector<1024x1xf32> to vector<1024x75xf32>
    %div3A_6 = arith.divf %reduce_sum3A_3, %div3A : vector<1024x75xf32>
    %swap3A = arith.constant 0 : index
    %swap3A_7 = arith.constant 0 : index
    %swap3A_8 = vector.load %arg1[%swap3A, %swap3A_7] : memref<1024x75xf32, #tpu.memory_space<vmem>>, vector<1024x75xf32>
    tpu.vector_store %arg1[%swap3A, %swap3A_7], %div3A_6 {strides = array<i32>} : memref<1024x75xf32, #tpu.memory_space<vmem>>, vector<1024x75xf32>,
    %div3A_9 = arith.constant 3.000000e+00 : f32
    %div3A_10 = vector.broadcast %div3A_9 : f32 to vector<1024x1xf32>
    %div3A_11 = arith.divf %broadcast_in_dim3A, %div3A_10 : vector<1024x1xf32>
    %swap3A_12 = arith.constant 0 : index
    %swap3A_13 = arith.constant 0 : index
    %swap3A_14 = vector.load %arg2[%swap3A_12, %swap3A_13] : memref<1024x1xf32, #tpu.memory_space<vmem>>, vector<1024x1xf32>
    tpu.vector_store %arg2[%swap3A_12, %swap3A_13], %div3A_11 {strides = array<i32>} : memref<1024x1xf32, #tpu.memory_space<vmem>>, vector<1024x1xf32>,
    return
  }
}

</mosaic_0001>

<sc_bundles>
// kernel: kernel.4.cloned.1.call-start
scs
__scs_entry_jumppad:
0x0: {  	(pc) =	sbr.rel $0x88, $3  }
0x1: {  	(tag) =	ssettag $0x0;
	lr =	simm.s32 $0x1  }
0x2: {  	[smem:$0x3F9F] =	sst lr;
	_ =	strace $0xD0000000  }
0x3: {  	_ = 	snop  }
0x4: {  	_ = 	snop  }
0x5: {  	_ = 	snop  }
0x6: {  	_ = 	snop  }
0x7: {  	_ = 	snop  }
__scs_overlays_trampoline_lowered:
0x8: {  	[smem:$0x3FAE] =	sst s0  }
0x9: {  	[smem:$0x3FAF] =	sst s1  }
0xa: {  	[smem:$0x3FB0] =	sst s2  }
0xb: {  	[smem:$0x3FB1] =	sst s3  }
0xc: {  	[smem:$0x3FB2] =	sst s4  }
0xd: {  	[smem:$0x3FB3] =	sst s5  }
0xe: {  	[smem:$0x3FB4] =	sst s6  }
0xf: {  	[smem:$0x3FB5] =	sst s7  }
0x10: {  	[smem:$0x3FB6] =	sst s8  }
0x11: {  	[smem:$0x3FB7] =	sst s9;
	s0 =	simm.s32 @!p0 $0x0  }
0x12: {  	s1 =	sld [smem:$0x3F9D];
	s0 =	simm.s32 @p0 $0x1  }
0x13: {  	[smem:$0x3FB8] =	sst s0;
	s0 =	simm.s32 @!p1 $0x0  }
0x14: {  	s2 =	sld [smem:$0x3F9C];
	s0 =	simm.s32 @p1 $0x1  }
0x15: {  	[smem:$0x3FB9] =	sst s0;
	s0 =	simm.s32 @!p2 $0x0  }
0x16: {  	s3 =	sld [smem:$0x3FDB];
	s0 =	simm.s32 @p2 $0x1  }
0x17: {  	s4 =	simm.s32 $0x1BF5;
	[smem:$0x3FBB] =	sst s0  }
0x18: {  	s0 =	sld [smem:$0x3F9E];
	_ =	swait.ge [sflag:s4], $0x0  }
0x19: {  	s7 =	sld [smem:$0x3F9F]  }
0x1a: {  	s8 =	sadd.s32 $0xFFFFE003, lr  }
0x1b: {  	s9 =	sadd.s32 $0xFFFFFEF7, lr;
	s5 =	simm.s32 $0xFFFFFFFF;
	p2 =	slt.u32 s8, $0xFFFFF086  }
0x1c: {  	p1 =	slt.u32 s9, $0xF7A;
	s5 =	simm.s32 @!p2 $0x0  }
0x1d: {  	s5 =	simm.s32 @p1 $0x1;
	p0 =	seq.s32 s7, s2  }
0x1e: {  	s7 =	smul.u32 @!p0 $0xF7A, s2;
	p2 =	seq.s32 @!p0 s5, $0x0  }
0x1f: {  	s9 =	smul.u32 $0xF7A, s1;
	s8 =	simm.s32 @!p0 $0x1BF5;
	p2 =	por !p2, p0  }
0x20: {  	[sflag:s8] =	ssyncset.s32 @!p0 $0xFFFFF086;
	s6 =	sadd.s32 @!p0 s3, s7;
	s7 =	simm.s32 @!p0 $0x108  }
0x21: {  	s3 =	sadd.s32 s3, s9;
	s6 =	sadd.s32 @!p0 $0x88, s6;
	s7 =	simm.s32 @p2 $0x1082  }
0x22: {  	[simem:s7], [sflag:s8] =	dma.local @!p0 [hbm:s6], $0xF7A  }
0x23: {  	s9 =	sor.u32 $0xD0000000, s2;
	s6 =	simm.s32 $0x108;
	_ =	swait.ge @!p0 [sflag:s8], $0x0  }
0x24: {  	s3 =	sadd.s32 $0x88, s3;
	s6 =	simm.s32 @!p1 $0x1082;
	[sflag:s4] =	ssyncset.s32 $0xFFFFF086  }
0x25: {  	[simem:s6], [sflag:s4] =	dma.local [hbm:s3], $0xF7A  }
0x26: {  	[smem:$0x3F9F] =	sst s1;
	(tag) =	ssettag s2;
	_ =	strace s9  }
0x27: {  	s1 =	sld [smem:$0x3FAF]  }
0x28: {  	s2 =	sld [smem:$0x3FB0]  }
0x29: {  	s4 =	sld [smem:$0x3FB2]  }
0x2a: {  	p0 =	seq.s32 s5, $0x0;
	s5 =	sld [smem:$0x3FB3]  }
0x2b: {  	s6 =	sld [smem:$0x3FB4]  }
0x2c: {  	s7 =	sld [smem:$0x3FB5]  }
0x2d: {  	s3 =	simm.s32 $0x108;
	s8 =	sld [smem:$0x3FB6]  }
0x2e: {  	s3 =	simm.s32 @!p0 $0x1082;
	s9 =	sld [smem:$0x3FB7]  }
0x2f: {  	lr =	sadd.s32 s0, s3;
	s0 =	sld [smem:$0x3FAE]  }
0x30: {  	s3 =	sld [smem:$0x3FB1]  }
0x31: {  	[smem:$0x3FBA] =	sst s10  }
0x32: {  	s10 =	sld [smem:$0x3FB8];
	_ =	sdelay $0x3  }
0x33: {  	p0 =	seq.s32 s10, $0x1;
	s10 =	sld [smem:$0x3FBA];
	_ =	sdelay $0x3  }
0x34: {  	[smem:$0x3FBA] =	sst s10  }
0x35: {  	s10 =	sld [smem:$0x3FB9];
	_ =	sdelay $0x3  }
0x36: {  	p1 =	seq.s32 s10, $0x1;
	s10 =	sld [smem:$0x3FBA];
	_ =	sdelay $0x3  }
0x37: {  	[smem:$0x3FBA] =	sst s10  }
0x38: {  	s10 =	sld [smem:$0x3FBB]  }
0x39: {  	_ = 	snop;
	(pc) =	sbr.ind lr, $3  }
0x3a: {  	_ = 	snop  }
0x3b: {  	_ = 	snop  }
0x3c: {  	p2 =	seq.s32 s10, $0x1;
	s10 =	sld [smem:$0x3FBA]  }
0x3d: {  	_ =	shalt  }
0x3e: {  	_ =	shalt  }
0x3f: {  	_ =	shalt  }
0x40: {  	_ =	shalt  }
0x41: {  	_ =	shalt  }
0x42: {  	_ =	shalt  }
0x43: {  	_ =	shalt  }
0x44: {  	_ =	shalt  }
0x45: {  	_ =	shalt  }
0x46: {  	_ =	shalt  }
0x47: {  	_ =	shalt  }
0x48: {  	_ =	shalt  }
0x49: {  	_ =	shalt  }
0x4a: {  	_ =	shalt  }
0x4b: {  	_ =	shalt  }
0x4c: {  	_ =	shalt  }
0x4d: {  	_ =	shalt  }
0x4e: {  	_ =	shalt  }
0x4f: {  	_ =	shalt  }
0x50: {  	_ =	shalt  }
0x51: {  	_ =	shalt  }
0x52: {  	_ =	shalt  }
0x53: {  	_ =	shalt  }
0x54: {  	_ =	shalt  }
0x55: {  	_ =	shalt  }
0x56: {  	_ =	shalt  }
0x57: {  	_ =	shalt  }
0x58: {  	_ =	shalt  }
0x59: {  	_ =	shalt  }
0x5a: {  	_ =	shalt  }
0x5b: {  	_ =	shalt  }
0x5c: {  	_ =	shalt  }
0x5d: {  	_ =	shalt  }
0x5e: {  	_ =	shalt  }
0x5f: {  	_ =	shalt  }
0x60: {  	_ =	shalt  }
0x61: {  	_ =	shalt  }
0x62: {  	_ =	shalt  }
0x63: {  	_ =	shalt  }
0x64: {  	_ =	shalt  }
0x65: {  	_ =	shalt  }
0x66: {  	_ =	shalt  }
0x67: {  	_ =	shalt  }
0x68: {  	_ =	shalt  }
0x69: {  	_ =	shalt  }
0x6a: {  	_ =	shalt  }
0x6b: {  	_ =	shalt  }
0x6c: {  	_ =	shalt  }
0x6d: {  	_ =	shalt  }
0x6e: {  	_ =	shalt  }
0x6f: {  	_ =	shalt  }
0x70: {  	_ =	shalt  }
0x71: {  	_ =	shalt  }
0x72: {  	_ =	shalt  }
0x73: {  	_ =	shalt  }
0x74: {  	_ =	shalt  }
0x75: {  	_ =	shalt  }
0x76: {  	_ =	shalt  }
0x77: {  	_ =	shalt  }
0x78: {  	_ =	shalt  }
0x79: {  	_ =	shalt  }
0x7a: {  	_ =	shalt  }
0x7b: {  	_ =	shalt  }
0x7c: {  	_ =	shalt  }
0x7d: {  	_ =	shalt  }
0x7e: {  	_ =	shalt  }
0x7f: {  	_ =	shalt  }
0x80: {  	_ =	shalt  }
0x81: {  	_ =	shalt  }
0x82: {  	_ =	shalt  }
0x83: {  	_ =	shalt  }
0x84: {  	_ =	shalt  }
0x85: {  	_ =	shalt  }
0x86: {  	_ =	shalt  }
0x87: {  	_ =	shalt  }
.Lfunc_end0:
.L_simem_size_0:
called_computation_lowered:
.L_overlay_start_0:
0x88: {  	s2 =	sld [smem:$0x3FD9]  }
0x89: {  	s3 =	sld [smem:$0x3FFE];
	_ =	sdelay $0x1  }
0x8a: {  	s1 =	srdreg.scid  }
0x8b: {  	s0 =	sand.u32 $0x1, s1  }
0x8c: {  	s16 =	sshll.u32 s0, $0xA;
	s2 =	sadd.s32 s3, s2  }
0x8d: {  	s2 =	sadd.s32 s2, s16  }
0x8e: {  	[smem:$0x3FC6] =	sst s2  }
0x8f: {  	_ = 	snop  }
0x90: {  	(tm) =	ssettm $0x1  }
0x91: {  	s17 =	sld [smem:$0x3FFB];
	_ =	sdelay $0x3  }
0x92: {  	_ =	strace s17  }
0x93: {  	s2 =	sld [smem:$0x3FFC];
	_ =	sdelay $0x3  }
0x94: {  	_ =	strace s2  }
0x95: {  	s2 =	sld [smem:$0x3FFD];
	_ =	sdelay $0x3  }
0x96: {  	_ =	strace s2  }
0x97: {  	_ =	strace $0x8FFFFFFF  }
0x98: {  	s18 =	sld [smem:$0x3FDB];
	_ =	sdelay $0x1  }
0x99: {  	s19 =	simm.s32 $_scs_section_size  }
0x9a: {  	s4 =	simm.s32 $_size__tile_overlayer_lowered;
	s5 =	simm.s32 $_tile_overlayer_lowered  }
0x9b: {  	s22 =	simm.s32 $0x1BFF;
	s21 =	sshll.u32 s5, $0x1;
	s2 =	sadd.s32 s19, s18  }
0x9c: {  	s6 =	simm.s32 $0x0;
	s20 =	sshll.u32 s4, $0x1;
	s4 =	sadd.s32 s21, s2  }
0x9d: {  	[timem:s6], [sflag:s22] =	dma.local [hbm:s4], s20  }
0x9e: {  	_ =	swait.ge [sflag:s22], s20  }
0x9f: {  	s3 =	ssub.s32 $0x0, s20;
	[sflag:s22] =	ssyncset.done $0x0  }
0xa0: {  	[sflag:s22] =	ssyncadd.s32 s3;
	_ =	sdelay $0x1  }
0xa1: {  	s23 =	simm.s32 $0x1B8B  }
0xa2: {  	_ =	swait.ge [sflag:s23], $0x1  }
0xa3: {  	[sflag:s23] =	ssyncset.done $0x0  }
0xa4: {  	s25 =	simm.s32 $0x1B8E;
	s24 =	sld [smem:$0x3FFE];
	[sflag:s23] =	ssyncadd.s32 $0xFFFFFFFF  }
0xa5: {  	s26 =	simm.s32 $execute0_lowered;
	[smem:$0x3FD2] =	sst s25  }
0xa6: {  	s4 =	sshll.u32 s26, $0x1;
	_ =	strace $0x80000046;
	[dreg:$0x1] =	wrdreg $0xFFFFFFFF  }
0xa7: {  	s28 =	simm.s32 $_size_execute0_lowered;
	s2 =	sadd.s32 s2, s4;
	[dreg:$0x0] =	wrdreg $0x0  }
0xa8: {  	s4 =	sshll.u32 s28, $0x1;
	[dreg:$0x2] =	wrdreg s2  }
0xa9: {  	[dreg:$0x3] =	wrdreg s4  }
0xaa: {  	[dreg:$0x4] =	wrdreg $0xC0  }
0xab: {  	_ =	task [dreg:s6], $0x5FFFF  }
0xac: {  	[dreg:$0x1] =	wrdreg $0xFFFFFFFF  }
0xad: {  	[dreg:$0x0] =	wrdreg $0x60  }
0xae: {  	[dreg:$0x2] =	wrdreg s24  }
0xaf: {  	[dreg:$0x3] =	wrdreg $0x9  }
0xb0: {  	_ =	task.clear_ibuf [dreg:s6], $0x4FFFF;
	_ =	strace $0x90000046  }
0xb1: {  	s29 =	simm.s32 $0x9;
	_ =	strace $0x80000048  }
0xb2: {  	_ =	swait.ge [sflag:s29], $0x1  }
0xb3: {  	[sflag:s29] =	ssyncadd.s32 $0xFFFFFFFF  }
0xb4: {  	_ =	strace $0x90000048  }
0xb5: {  	_ =	sfence  }
0xb6: {  	s30 =	sld [smem:$0x0];
	_ =	sdelay $0x2  }
0xb7: {  	s31 =	sshll.u32 s1, $0xD;
	s1 =	sshrl.u32 s1, $0x2  }
0xb8: {  	s3 =	sand.u32 $0x4000, s31;
	s1 =	sadd.s32 s1, s30  }
0xb9: {  	s0 =	sor.u32 s3, s0;
	s1 =	sshll.u32 s1, $0x11  }
0xba: {  	s0 =	sor.u32 s1, s0  }
0xbb: {  	s0 =	sadd.s32 $0x8F2B, s0  }
0xbc: {  	[sflag:s0] =	ssyncadd.remote.s32 $0x1  }
0xbd: {  	_ =	sfence.sel $0xFFFF  }
0xbe: {  	[dreg:$0x0] =	wrdreg $0xFFFFFFFF;
	(pc) =	sbr.abs _section_cstart, $3  }
0xbf: {  	[dreg:$0x1] =	wrdreg $0xFFFFFFFF  }
0xc0: {  	_ =	task.clear_ibuf [dreg:s6], $0x2FFFF;
	_ =	strace $0x9FFFFFFF  }
0xc1: {  	(tm) =	ssettm $0x7FFFFFFF  }
tec
execute0_lowered:
.L_overlay_start_1:
0x0: {  	(tag) =	ssettag $0x1  }
0x1: {  	s1 =	srdreg.scid  }
0x2: {  	s0 =	stileid.u32;
	s3 =	rddreg [dreg:$0x0];
	s11 =	simm.s32 $0x16C00  }
0x3: {  	s12 =	simm.s32 $0x18C00;
	s13 =	simm.s32 $0x1;
	s14 =	simm.s32 $0x80  }
0x4: {  	s15 =	simm.s32 $0x400;
	s16 =	simm.s32 $0x2;
	s17 =	simm.s32 $0x0  }
0x5: {  	s4 =	sand.u32 $0x1, s1;
	s2 =	sshll.u32 s0, $0x1;
	s1 =	rddreg [dreg:$0x1]  }
0x6: {  	s6 =	sshrl.u32 s0, $0x2;
	s5 =	sor.u32 s4, s2;
	s2 =	simm.s32 $0x0  }
0x7: {  	s6 =	smul.u32 $0x96000, s6;
	s4 =	ssub.s32 $0x2, s4;
	s7 =	sshll.u32 s5, $0x7  }
0x8: {  	[smem:$0x7FF] =	sst s2;
	s5 =	sshll.u32 s5, $0xA;
	s7 =	sand.u32 $0x380, s7  }
0x9: {  	s31 =	sshrl.u32 s4, $0x1;
	_ =	strace $0x80000047;
	s6 =	sor.u32 s6, s7  }
0xa: {  	s8 =	sadd.s32 s5, s3;
	s10 =	ssub.s32 s4, s31;
	s6 =	sshrl.u32 s6, $0x3  }
0xb: {  	s4 =	sadd.s32 $0x8200, s8;
	s5 =	sadd.s32 $0x10200, s8;
	s9 =	sadd.s32 s6, s3  }
0xc: {  	s3 =	sadd.s32 $0x200, s8;
	s6 =	sadd.s32 $0x18200, s8;
	s8 =	smax.u32 s10, $0x1  }
0xd: {  	v0 =	vimm.f32 $0.0e+00;
	v1 =	vimm.f32 $1.000000000e+00;
	s10 =	simm.s32 $0x14C00;
	s7 =	sadd.s32 $0x20200, s9;
	s9 =	simm.s32 $0x12C00  }
.LBB2_1:
0xe: {  	[tilespmem:s9], [sflag:$0x1] =	stream.linear.gather [hbm4b:s3+s2], $0x2000, $0x38;
	[tilespmem:$0x1AC00] =	vst v63  }
0xf: {  	_ = 	snop  }
0x10: {  	[tilespmem:s10], [sflag:$0x1] =	stream.linear.gather [hbm4b:s4+s2], $0x2000, $0x38;
	[tilespmem:$0x1AC00] =	vst v63  }
0x11: {  	_ = 	snop  }
0x12: {  	[tilespmem:s11], [sflag:$0x1] =	stream.linear.gather [hbm4b:s5+s2], $0x2000, $0x38;
	[tilespmem:$0x1AC00] =	vst v63  }
0x13: {  	s18 =	simm.s32 $0x40;
	s19 =	simm.s32 $0x0  }
0x14: {  	[tilespmem:s12], [sflag:$0x1] =	stream.linear.gather [hbm4b:s6+s2], $0x2000, $0x38;
	[tilespmem:$0x1AC00] =	vst v63  }
.LBB2_2:
0x15: {  	p0 =	sne.s32 s18, $0x4AFC0;
	[tilespmem:s19+$0x0] =	vst v0;
	s19 =	smov.u32 s18;
	s18 =	sadd.s32 $0x40, s18  }
.Ltmp0:
0x16: {  	(pc) =	sbr.rel @p0 .LBB2_2-.Ltmp0, $2  }
0x17: {  	_ =	sdelay $0x2  }
0x18: {  	s19 =	sshra.s32 s19, $0x2  }
0x19: {  	[tilespmem:s19+$0x0] =	vst v0  }
0x1a: {  	_ =	swait.ge [sflag:s13], $0x2000  }
0x1b: {  	[sflag:s13] =	ssyncset.done $0x0  }
0x1c: {  	[sflag:s13] =	ssyncadd.s32 $0xFFFFE000  }
0x1d: {  	_ =	swait.ge [sflag:s13], $0x2000  }
0x1e: {  	[sflag:s13] =	ssyncset.done $0x0  }
0x1f: {  	[sflag:s13] =	ssyncadd.s32 $0xFFFFE000  }
0x20: {  	_ =	swait.ge [sflag:s13], $0x2000  }
0x21: {  	[sflag:s13] =	ssyncset.done $0x0  }
0x22: {  	[sflag:s13] =	ssyncadd.s32 $0xFFFFE000  }
0x23: {  	_ =	swait.ge [sflag:s13], $0x2000  }
0x24: {  	s18 =	simm.s32 $0x0;
	[sflag:s13] =	ssyncset.done $0x0  }
0x25: {  	s20 =	simm.s32 $0x0;
	s19 =	simm.s32 $0x40;
	[sflag:s13] =	ssyncadd.s32 $0xFFFFE000  }
.LBB2_4:
0x26: {  	p0 =	sne.s32 s19, $0x7FC0;
	v2 =	vld [tilespmem:s20+$0x14C00];
	_ =	sdelay $0x4  }
0x27: {  	v2 =	vmul.f32 $2.400000000e+01, v2  }
0x28: {  	v3 =	vld [tilespmem:s20+$0x12C00]  }
0x29: {  	v2 =	vtrunc.f32 v2  }
0x2a: {  	v2 =	vcvt.f32.s32 v2;
	_ =	sdelay $0x1  }
0x2b: {  	vm0 =	vgt.s32 v2, $0x0  }
0x2c: {  	v2 =	vnsel vm0, $0x0, v2;
	v3 =	vmul.u32 $0x4B, v3  }
0x2d: {  	v2 =	vmin.u32 v2, $0x18  }
0x2e: {  	v2 =	vadd.s32 v3, v2  }
.Ltmp1:
0x2f: {  	(pc) =	sbr.rel @p0 .LBB2_4-.Ltmp1, $2  }
0x30: {  	_ =	sdelay $0x2  }
0x31: {  	s20 =	sshra.s32 s19, $0x2;
	s19 =	sadd.s32 $0x40, s19;
	[tilespmem:v2+s18+$0x0] =	vst.idx.add.f32.msk $0xffff, v1  }
0x32: {  	v2 =	vld [tilespmem:s20+$0x14C00];
	_ =	sdelay $0x4  }
0x33: {  	v2 =	vmul.f32 $2.400000000e+01, v2  }
0x34: {  	v3 =	vld [tilespmem:s20+$0x12C00]  }
0x35: {  	v2 =	vtrunc.f32 v2  }
0x36: {  	v2 =	vcvt.f32.s32 v2;
	_ =	sdelay $0x1  }
0x37: {  	vm0 =	vgt.s32 v2, $0x0  }
0x38: {  	v3 =	vmul.u32 $0x4B, v3;
	v2 =	vnsel vm0, $0x0, v2  }
0x39: {  	v2 =	vmin.u32 v2, $0x18  }
0x3a: {  	v2 =	vadd.s32 v3, v2;
	_ =	sdelay $0x4  }
0x3b: {  	s30 =	sand.u32 $0x1FF0, s18;
	[tilespmem:v2+s18+$0x0] =	vst.idx.add.f32.msk $0xffff, v1  }
0x3c: {  	v2 =	vld [tilespmem:s30+$0x16C00];
	_ =	sdelay $0x4  }
0x3d: {  	s18 =	simm.s32 $0x12C00;
	v2 =	vmul.f32 $2.400000000e+01, v2  }
0x3e: {  	v3 =	vld [tilespmem:s18+$0x0]  }
0x3f: {  	v2 =	vtrunc.f32 v2  }
0x40: {  	v2 =	vcvt.f32.s32 v2;
	_ =	sdelay $0x1  }
0x41: {  	vm15 =	vgt.s32 v2, $0x0  }
0x42: {  	v3 =	vmul.u32 $0x4B, v3;
	v2 =	vnsel vm15, $0x0, v2  }
0x43: {  	v2 =	vmin.u32 v2, $0x18  }
0x44: {  	v2 =	vadd.s32 v2, v3  }
0x45: {  	v2 =	vadd.s32 $0x19, v2;
	_ =	sdelay $0x3  }
0x46: {  	s31 =	simm.s32 $0x10;
	s19 =	simm.s32 $0x0  }
0x47: {  	s21 =	simm.s32 $0x20;
	s20 =	simm.s32 $0x12C00;
	s22 =	sand.u32 $0x1FF0, s31;
	[tilespmem:v2+s19+$0x0] =	vst.idx.add.f32.msk $0xffff, v1  }
.LBB2_6:
0x48: {  	p0 =	sne.s32 s21, $0x1FF0;
	v2 =	vld [tilespmem:s22+$0x16C00];
	_ =	sdelay $0x4  }
0x49: {  	s20 =	sadd.s32 $0x10, s20;
	v2 =	vmul.f32 $2.400000000e+01, v2  }
0x4a: {  	v3 =	vld [tilespmem:s20+$0x0]  }
0x4b: {  	v2 =	vtrunc.f32 v2  }
0x4c: {  	v2 =	vcvt.f32.s32 v2;
	_ =	sdelay $0x1  }
0x4d: {  	vm0 =	vgt.s32 v2, $0x0  }
0x4e: {  	v2 =	vnsel vm0, $0x0, v2;
	v3 =	vmul.u32 $0x4B, v3  }
0x4f: {  	v2 =	vmin.u32 v2, $0x18  }
0x50: {  	v2 =	vadd.s32 v2, v3  }
0x51: {  	v2 =	vadd.s32 $0x19, v2  }
.Ltmp2:
0x52: {  	(pc) =	sbr.rel @p0 .LBB2_6-.Ltmp2, $2  }
0x53: {  	_ =	sdelay $0x2  }
0x54: {  	s22 =	sand.u32 $0x1FF0, s21;
	s21 =	sadd.s32 $0x10, s21;
	[tilespmem:v2+s19+$0x0] =	vst.idx.add.f32.msk $0xffff, v1  }
0x55: {  	v2 =	vld [tilespmem:s22+$0x16C00];
	_ =	sdelay $0x4  }
0x56: {  	s19 =	sadd.s32 $0x10, s20;
	v2 =	vmul.f32 $2.400000000e+01, v2  }
0x57: {  	v3 =	vld [tilespmem:s19+$0x0]  }
0x58: {  	v2 =	vtrunc.f32 v2  }
0x59: {  	v2 =	vcvt.f32.s32 v2;
	_ =	sdelay $0x1  }
0x5a: {  	vm0 =	vgt.s32 v2, $0x0  }
0x5b: {  	v3 =	vmul.u32 $0x4B, v3;
	v2 =	vnsel vm0, $0x0, v2  }
0x5c: {  	v2 =	vmin.u32 v2, $0x18  }
0x5d: {  	v2 =	vadd.s32 v2, v3  }
0x5e: {  	p1 =	por $0x1, $0x1;
	v2 =	vadd.s32 $0x19, v2  }
.Ltmp3:
0x5f: {  	_ = 	snop;
	(pc) =	sbr.rel @!p1 .LBB2_8-.Ltmp3, $3  }
0x60: {  	_ =	sdelay $0x1  }
0x61: {  	s31 =	simm.s32 $0x0  }
0x62: {  	p0 =	por $0x0, $0x0;
	s21 =	sand.u32 $0x1FF0, s31;
	s19 =	simm.s32 $0x10;
	[tilespmem:v2+s31+$0x0] =	vst.idx.add.f32.msk $0xffff, v1  }
0x63: {  	v2 =	vld [tilespmem:s21+$0x18C00];
	_ =	sdelay $0x4  }
0x64: {  	v2 =	vmul.f32 $2.400000000e+01, v2  }
0x65: {  	v3 =	vld [tilespmem:s18+$0x0]  }
0x66: {  	v2 =	vtrunc.f32 v2  }
0x67: {  	v2 =	vcvt.f32.s32 v2;
	_ =	sdelay $0x1  }
0x68: {  	vm0 =	vgt.s32 v2, $0x0  }
0x69: {  	v3 =	vmul.u32 $0x4B, v3;
	v2 =	vnsel vm0, $0x0, v2  }
0x6a: {  	v2 =	vmin.u32 v2, $0x18  }
0x6b: {  	v2 =	vadd.s32 v2, v3  }
0x6c: {  	p1 =	por $0x1, $0x1;
	v2 =	vadd.s32 $0x32, v2  }
.Ltmp4:
0x6d: {  	_ = 	snop;
	(pc) =	sbr.rel @!p1 .LBB2_10-.Ltmp4, $3  }
0x6e: {  	_ =	sdelay $0x1  }
0x6f: {  	s21 =	sand.u32 $0x1FF0, s19  }
0x70: {  	s20 =	simm.s32 $0x20;
	p0 =	por $0x1, $0x1;
	s19 =	simm.s32 $0x12C00;
	[tilespmem:v2+s2+$0x0] =	vst.idx.add.f32.msk $0xffff, v1  }
.LBB2_11:
0x71: {  	p1 =	sne.s32 s20, $0x1FF0;
	v2 =	vld [tilespmem:s21+$0x18C00];
	_ =	sdelay $0x4  }
0x72: {  	s19 =	sadd.s32 $0x10, s19;
	v2 =	vmul.f32 $2.400000000e+01, v2  }
0x73: {  	v3 =	vld [tilespmem:s19+$0x0]  }
0x74: {  	v2 =	vtrunc.f32 v2  }
0x75: {  	v2 =	vcvt.f32.s32 v2;
	_ =	sdelay $0x1  }
0x76: {  	vm0 =	vgt.s32 v2, $0x0  }
0x77: {  	v2 =	vnsel vm0, $0x0, v2;
	v3 =	vmul.u32 $0x4B, v3  }
0x78: {  	v2 =	vmin.u32 v2, $0x18  }
0x79: {  	v2 =	vadd.s32 v2, v3  }
0x7a: {  	v2 =	vadd.s32 $0x32, v2  }
.Ltmp5:
0x7b: {  	(pc) =	sbr.rel @p1 .LBB2_11-.Ltmp5, $2  }
0x7c: {  	_ =	sdelay $0x2  }
0x7d: {  	s21 =	sand.u32 $0x1FF0, s20;
	s20 =	sadd.s32 $0x10, s20;
	[tilespmem:v2+s2+$0x0] =	vst.idx.add.f32.msk $0xffff, v1  }
.LBB2_12:
0x7e: {  	v2 =	vld [tilespmem:s21+$0x18C00];
	_ =	sdelay $0x3  }
0x7f: {  	s19 =	sadd.s32 @p0 $0x10, s19  }
0x80: {  	s18 =	smov.u32 @p0 s19;
	v2 =	vmul.f32 $2.400000000e+01, v2  }
0x81: {  	v3 =	vld [tilespmem:s18+$0x0]  }
0x82: {  	v2 =	vtrunc.f32 v2  }
0x83: {  	v2 =	vcvt.f32.s32 v2;
	_ =	sdelay $0x1  }
0x84: {  	vm0 =	vgt.s32 v2, $0x0  }
0x85: {  	v3 =	vmul.u32 $0x4B, v3;
	v2 =	vnsel vm0, $0x0, v2  }
0x86: {  	v2 =	vmin.u32 v2, $0x18  }
0x87: {  	v2 =	vadd.s32 v2, v3  }
0x88: {  	v2 =	vadd.s32 $0x32, v2;
	_ =	sdelay $0x3  }
0x89: {  	s17 =	sadd.s32 $0x1, s17  }
0x8a: {  	p0 =	sne.s32 s17, s8;
	[tilespmem:v2+s2+$0x0] =	vst.idx.add.f32.msk $0xffff, v1  }
0x8b: {  	[hbm4b:s7+s14] =	stream.strided.scatter [tilespmem:s2], [sflag:$0x2], $0x12C00, s15, s14, $0x38;
	[tilespmem:$0x1AC00] =	vst v63  }
.Ltmp6:
0x8c: {  	_ = 	snop;
	(pc) =	sbr.rel @p0 .LBB2_1-.Ltmp6, $4  }
.Ltmp7:
0x8d: {  	_ = 	snop;
	(pc) =	sbr.rel @!p0 .LBB2_13-.Ltmp7, $4  }
0x8e: {  	_ =	swait.ge [sflag:s16], $0x12C00  }
0x8f: {  	[sflag:s16] =	ssyncset.done $0x0  }
0x90: {  	[sflag:s16] =	ssyncadd.s32 $0xFFFED400  }
0x91: {  	_ = 	snop  }
.LBB2_8:
.Ltmp8:
0x92: {  	(pc) =	sbr.rel .LBB2_12-.Ltmp8, $2  }
0x93: {  	_ =	sdelay $0x2  }
0x94: {  	s19 =	simm.s32 $0x12C00  }
.LBB2_10:
.Ltmp9:
0x95: {  	(pc) =	sbr.rel .LBB2_12-.Ltmp9, $2  }
0x96: {  	_ =	sdelay $0x2  }
0x97: {  	s19 =	simm.s32 $0x12C00  }
.LBB2_13:
0x98: {  	_ =	sfence.sel $0x180000  }
0x99: {  	[bflag:$0x0] =	sbarrier.arrive $0xFFFF  }
0x9a: {  	p0 =	sne.s32 s0, $0x0;
	_ =	strace $0x90000047  }
0x9b: {  	s0 =	sadd.s32 @!p0 $0x100000, s1;
	[bflag:$0x2] =	sbarrier.arrive $0xFFFF  }
0x9c: {  	[sflag:s0] =	ssyncadd.tile.s32 @!p0 $0x1;
	_ =	shalt  }
.Lfunc_end2:
_tile_overlayer_lowered:
.L_overlay_start_2:
0x9d: {  	(tag) =	ssettag $0x2  }
0x9e: {  	s0 =	rddreg [dreg:$0x0];
	s2 =	stileid.u32  }
0x9f: {  	s1 =	rddreg [dreg:$0x1];
	p0 =	sne.s32 s2, $0x0  }
0xa0: {  	s3 =	rddreg [dreg:$0x2];
	[bflag:$0x3] =	sbarrier.arrive $0xFFFF;
	s2 =	simm.s32 @!p0 $0x1C02  }
0xa1: {  	[timem:s3], [sflag:s2] =	dma.local @!p0 [hbm:s0], s1  }
0xa2: {  	s0 =	simm.s32 @!p0 $0x2  }
0xa3: {  	_ =	swait.ge @!p0 [sflag:s0], s1  }
0xa4: {  	s1 =	ssub.s32 @!p0 $0x0, s1;
	[sflag:s0] =	ssyncset.done @!p0 $0x0  }
0xa5: {  	[sflag:s0] =	ssyncadd.s32 @!p0 s1  }
0xa6: {  	[bflag:$0x3] =	sbarrier.arrive $0xFFFF  }
0xa7: {  	_ =	shalt  }

</sc_bundles>
